<compile_context>
chip_gen: v7x
topology: tpu7x:2x2x1
jax: 0.10.2.dev20260603
libtpu: 0.0.44.dev20260713+nightly
codegen_flags: <defaults>
</compile_context>

<pallas_src>
import functools

import jax
import jax.numpy as jnp
from jax.experimental import pallas as pl
from jax.experimental.pallas import tpu as pltpu

_EPS = 1e-10
_TOP_P = 0.5


def _body(x_ref, masks_ref, wt_ref, out_ref, loss_ref, imp_acc, ent_acc):
    i = pl.program_id(0)
    nsteps = pl.num_programs(0)

    @pl.when(i == 0)
    def _init():
        imp_acc[...] = jnp.zeros_like(imp_acc)
        ent_acc[0] = jnp.float32(0.0)

    xb = x_ref[...]
    K, L, _ = xb.shape
    N = K * L
    x2d = xb.reshape(N, L)
    wt = wt_ref[...]

    lgT = jax.lax.dot_general(wt, x2d, (((1,), (1,)), ((), ())),
                              preferred_element_type=jnp.float32)
    c0 = lgT[0:1, :]
    c1 = lgT[1:2, :]
    c2 = lgT[2:3, :]

    cm = jnp.maximum(jnp.maximum(c0, c1), c2)
    e0 = jnp.exp(c0 - cm)
    e1 = jnp.exp(c1 - cm)
    e2 = jnp.exp(c2 - cm)
    s = e0 + e1 + e2
    p0 = e0 / s
    p1 = e1 / s
    p2 = e2 / s

    ge01 = p0 >= p1
    ge02 = p0 >= p2
    ge12 = p1 >= p2
    is0 = ge01 & ge02
    is1 = (~is0) & ge12
    is2 = ~(is0 | is1)
    pmax = jnp.where(is0, p0, jnp.where(is1, p1, p2))
    sec0 = (is1 & ge02) | (is2 & ge01)
    sec1 = (is0 & ge12) | (is2 & ~ge01)
    sec2 = (is0 & ~ge12) | (is1 & ~ge02)
    psec = jnp.where(sec0, p0, jnp.where(sec1, p1, p2))

    keep2 = pmax <= _TOP_P
    k2f = keep2.astype(jnp.float32)
    g0 = is0.astype(jnp.float32) + k2f * sec0.astype(jnp.float32)
    g1 = is1.astype(jnp.float32) + k2f * sec1.astype(jnp.float32)
    g2 = is2.astype(jnp.float32) + k2f * sec2.astype(jnp.float32)

    ent = -(p0 * jnp.log(p0 + _EPS)
            + p1 * jnp.log(p1 + _EPS)
            + p2 * jnp.log(p2 + _EPS))
    ent_acc[0] += jnp.sum(ent)

    imp_acc[0:1, :] += pmax
    imp_acc[1:2, :] += psec * k2f

    gpack = jnp.concatenate(
        [g0, g1, g2, jnp.zeros((5, N), jnp.float32)], axis=0)
    gcols = jnp.transpose(gpack)

    m0 = masks_ref[0]
    m1 = masks_ref[1]
    m2 = masks_ref[2]
    rows = jax.lax.broadcasted_iota(jnp.int32, (L, L), 0)
    cols = jax.lax.broadcasted_iota(jnp.int32, (L, L), 1)
    eye = (rows == cols).astype(jnp.float32)

    for k in range(K):
        gk = gcols[k * L:(k + 1) * L, :]
        out_ref[k] = (gk[:, 0:1] * m0 + gk[:, 1:2] * m1
                      + gk[:, 2:3] * m2 + eye)

    @pl.when(i == nsteps - 1)
    def _finalize():
        imp = imp_acc[:, 0:L]
        for k in range(1, K):
            imp = imp + imp_acc[:, k * L:(k + 1) * L]
        n = jnp.float32(3 * L)
        mean = jnp.sum(imp) / n
        d = imp - mean
        ssq = jnp.sum(d * d) + jnp.float32(L) * mean * mean
        var = ssq / (n - 1.0)
        loss_imp = var / (mean * mean + _EPS)
        loss_dyn = ent_acc[0] / jnp.float32(3 * 512)
        loss_ref[0] = loss_imp + 0.1 * loss_dyn


@functools.partial(jax.jit, static_argnames=())
def kernel(x, masks, W_gate):
    B, H, L, _ = x.shape
    BH = B * H
    K = 8
    x_flat = x.reshape(BH, L, L)
    masks_t = jnp.transpose(masks, (1, 0, 2))
    w_t = jnp.transpose(W_gate)

    out, loss1 = pl.pallas_call(
        _body,
        grid=(BH // K,),
        in_specs=[
            pl.BlockSpec((K, L, L), lambda i: (i, 0, 0)),
            pl.BlockSpec((3, L, L), lambda i: (0, 0, 0)),
            pl.BlockSpec((3, L), lambda i: (0, 0)),
        ],
        out_specs=[
            pl.BlockSpec((K, L, L), lambda i: (i, 0, 0)),
            pl.BlockSpec(memory_space=pltpu.SMEM),
        ],
        out_shape=[
            jax.ShapeDtypeStruct((BH, L, L), jnp.float32),
            jax.ShapeDtypeStruct((1,), jnp.float32),
        ],
        scratch_shapes=[
            pltpu.VMEM((2, K * L), jnp.float32),
            pltpu.SMEM((1,), jnp.float32),
        ],
    )(x_flat, masks_t, w_t)

    return out.reshape(B, H, L, L), loss1[0]

# --- scband reference (transcript-rebuilt; emitter-appended) ---
"""Pipeline reference for scband-time-filter-backbone-65309272703219 (READ-ONLY COPY).

The authoritative reference and input builder live on the scoring server;
editing this copy changes nothing except your own understanding.
"""

import jax, jax.numpy as jnp
import numpy as np


def setup_inputs(seed: int = 0) -> dict:
    key = jax.random.key(seed)
    k1, k2, k3 = jax.random.split(key, 3)
    B, H, L, E = 64, 8, 220, 3
    x = jax.random.uniform(k1, (B, H, L, L), dtype=jnp.float32)
    masks = jax.random.uniform(k2, (L, E, L), dtype=jnp.float32)
    W_gate = jax.random.normal(k3, (L, E), dtype=jnp.float32) * 0.02
    return {"x": x, "masks": masks, "W_gate": W_gate}


def reference(x, masks, W_gate):
    # MoERouter.forward with is_training=False (no noise branch), top_p=0.5
    top_p = 0.5
    eps = 1e-10
    B, H, L, _ = x.shape
    E = W_gate.shape[1]
    mask_base = jnp.eye(L, dtype=jnp.float32)[None, None, :, :]
    x_flat = x.reshape(B * H, L, L)
    # clean logits via gate (Linear, no bias)
    clean_logits = x_flat @ W_gate                      # [BH, L, E]
    logits = jax.nn.softmax(clean_logits, axis=2)
    # cross-entropy diversity loss: sum over L dim, mean over rest
    loss_dynamic = -(logits * jnp.log(logits + eps)).sum(axis=1).mean()
    # sort descending along expert dim
    order = jnp.argsort(-logits, axis=-1)               # [BH, L, E]
    sorted_probs = jnp.take_along_axis(logits, order, axis=-1)
    cumulative_probs = jnp.cumsum(sorted_probs, axis=-1)
    m = cumulative_probs > top_p                        # [BH, L, E] bool
    threshold_indices = jnp.argmax(m.astype(jnp.int32), axis=-1)
    threshold_mask = jax.nn.one_hot(threshold_indices, E) > 0
    m = m & (~threshold_mask)
    # scatter 1s at original expert positions where mask == 0
    keep = (~m).astype(jnp.float32)                     # [BH, L, E]
    oh = jax.nn.one_hot(order, E, dtype=jnp.float32)    # [BH, L, E, E]
    top_p_mask = jnp.einsum('blk,blkd->bld', keep, oh)  # [BH, L, E]
    sorted_probs = jnp.where(m, jnp.zeros_like(sorted_probs), sorted_probs)
    # cv_squared load-balance loss on per-(L,E) importance (unbiased var like torch)
    importance = sorted_probs.sum(axis=0)               # [L, E]
    loss_importance = jnp.var(importance, ddof=1) / (jnp.mean(importance) ** 2 + eps)
    loss = loss_importance + 0.1 * loss_dynamic
    gates = top_p_mask.reshape(B, H, L, E).astype(jnp.float32)
    final_mask = jnp.einsum('bhli,lid->bhld', gates, masks) + mask_base
    return final_mask, loss

if __name__ == "__main__":
    import jax
    _d = setup_inputs()
    print(jax.jit(kernel)(*tuple(_d.values())))

</pallas_src>

<mosaic_0001>
module attributes {stable_mosaic.version = 14 : i64} {
  func.func @_body(%arg0: i32, %arg1: memref<8x220x220xf32, #tpu.memory_space<vmem>>, %arg2: memref<3x220x220xf32, #tpu.memory_space<vmem>>, %arg3: memref<3x220xf32, #tpu.memory_space<vmem>>, %arg4: memref<8x220x220xf32, #tpu.memory_space<vmem>>, %arg5: memref<1xf32, #tpu.memory_space<smem>>, %arg6: memref<2x1760xf32, #tpu.memory_space<vmem>>, %arg7: memref<1xf32, #tpu.memory_space<smem>>) attributes {dimension_semantics = [#tpu.dimension_semantics<arbitrary>], iteration_bounds = array<i64: 64>, scalar_prefetch = 0 : i64, scratch_operands = 2 : i64, tpu.core_type = #tpu.core_type<tc>, window_params = [{transform_indices = @transform_0, window_bounds = array<i64: 8, 220, 220>}, {pipeline_mode = #tpu.pipeline_mode<synchronous>, transform_indices = @transform_1, window_bounds = array<i64: 3, 220, 220>}, {pipeline_mode = #tpu.pipeline_mode<synchronous>, transform_indices = @transform_2, window_bounds = array<i64: 3, 220>}, {transform_indices = @transform_3, window_bounds = array<i64: 8, 220, 220>}, {transform_indices = @transform_4, window_bounds = array<i64: 1>}]} {
    %eq3A = arith.constant 0 : i32
    %eq3A_0 = arith.cmpi eq, %arg0, %eq3A : i32
    %convert_element_type3A = arith.extui %eq3A_0 : i1 to i32
    %cond3A = arith.constant 0 : i32
    %cond3A_1 = arith.cmpi ne, %convert_element_type3A, %cond3A : i32
    scf.if %cond3A_1 {
      %broadcast_in_dim3A_282 = arith.constant 0.000000e+00 : f32
      %broadcast_in_dim3A_283 = vector.broadcast %broadcast_in_dim3A_282 : f32 to vector<2x1760xf32>
      %swap3A_284 = arith.constant 0 : index
      %swap3A_285 = arith.constant 0 : index
      %swap3A_286 = vector.load %arg6[%swap3A_284, %swap3A_285] : memref<2x1760xf32, #tpu.memory_space<vmem>>, vector<2x1760xf32>
      tpu.vector_store %arg6[%swap3A_284, %swap3A_285], %broadcast_in_dim3A_283 {strides = array<i32>} : memref<2x1760xf32, #tpu.memory_space<vmem>>, vector<2x1760xf32>,
      %swap3A_287 = arith.constant 0.000000e+00 : f32
      %swap3A_288 = arith.constant 0 : index
      %swap3A_289 = memref.load %arg7[%swap3A_288] : memref<1xf32, #tpu.memory_space<smem>>
      memref.store %swap3A_287, %arg7[%swap3A_288] : memref<1xf32, #tpu.memory_space<smem>>
    } else {
    }
    %get3A = arith.constant 0 : index
    %get3A_2 = arith.constant 0 : index
    %get3A_3 = arith.constant 0 : index
    %get3A_4 = vector.load %arg1[%get3A, %get3A_2, %get3A_3] : memref<8x220x220xf32, #tpu.memory_space<vmem>>, vector<8x220x220xf32>
    %reshape3A = vector.shape_cast %get3A_4 : vector<8x220x220xf32> to vector<1760x220xf32>
    %get3A_5 = arith.constant 0 : index
    %get3A_6 = arith.constant 0 : index
    %get3A_7 = vector.load %arg3[%get3A_5, %get3A_6] : memref<3x220xf32, #tpu.memory_space<vmem>>, vector<3x220xf32>
    %dot_general3A = arith.constant dense<0.000000e+00> : vector<3x1760xf32>
    %dot_general3A_8 = tpu.matmul %get3A_7, %reshape3A, %dot_general3A {dimension_numbers = #tpu.dot_dimension_numbers<[1], [1], [0], [0], [0, 0, 1, 0], [], []>, transpose_lhs_hint = false} : vector<3x220xf32>, vector<1760x220xf32>, vector<3x1760xf32> -> vector<3x1760xf32>
    %slice3A = vector.extract_strided_slice %dot_general3A_8 {offsets = [0, 0], sizes = [1, 1760], strides = [1, 1]} : vector<3x1760xf32> to vector<1x1760xf32>
    %slice3A_9 = vector.extract_strided_slice %dot_general3A_8 {offsets = [1, 0], sizes = [1, 1760], strides = [1, 1]} : vector<3x1760xf32> to vector<1x1760xf32>
    %slice3A_10 = vector.extract_strided_slice %dot_general3A_8 {offsets = [2, 0], sizes = [1, 1760], strides = [1, 1]} : vector<3x1760xf32> to vector<1x1760xf32>
    %max3A = arith.maximumf %slice3A, %slice3A_9 : vector<1x1760xf32>
    %max3A_11 = arith.maximumf %max3A, %slice3A_10 : vector<1x1760xf32>
    %sub3A = arith.subf %slice3A, %max3A_11 : vector<1x1760xf32>
    %exp3A = math.exp %sub3A : vector<1x1760xf32>
    %sub3A_12 = arith.subf %slice3A_9, %max3A_11 : vector<1x1760xf32>
    %exp3A_13 = math.exp %sub3A_12 : vector<1x1760xf32>
    %sub3A_14 = arith.subf %slice3A_10, %max3A_11 : vector<1x1760xf32>
    %exp3A_15 = math.exp %sub3A_14 : vector<1x1760xf32>
    %add3A = arith.addf %exp3A, %exp3A_13 : vector<1x1760xf32>
    %add3A_16 = arith.addf %add3A, %exp3A_15 : vector<1x1760xf32>
    %div3A = arith.divf %exp3A, %add3A_16 : vector<1x1760xf32>
    %div3A_17 = arith.divf %exp3A_13, %add3A_16 : vector<1x1760xf32>
    %div3A_18 = arith.divf %exp3A_15, %add3A_16 : vector<1x1760xf32>
    %ge3A = arith.cmpf oge, %div3A, %div3A_17 : vector<1x1760xf32>
    %ge3A_19 = arith.cmpf oge, %div3A, %div3A_18 : vector<1x1760xf32>
    %ge3A_20 = arith.cmpf oge, %div3A_17, %div3A_18 : vector<1x1760xf32>
    %and3A = arith.andi %ge3A, %ge3A_19 : vector<1x1760xi1>
    %not3A = arith.constant dense<true> : vector<1x1760xi1>
    %not3A_21 = arith.xori %and3A, %not3A : vector<1x1760xi1>
    %and3A_22 = arith.andi %not3A_21, %ge3A_20 : vector<1x1760xi1>
    %or3A = arith.ori %and3A, %and3A_22 : vector<1x1760xi1>
    %not3A_23 = arith.constant dense<true> : vector<1x1760xi1>
    %not3A_24 = arith.xori %or3A, %not3A_23 : vector<1x1760xi1>
    %select_n3A = arith.select %and3A_22, %div3A_17, %div3A_18 : vector<1x1760xi1>, vector<1x1760xf32>
    %select_n3A_25 = arith.select %and3A, %div3A, %select_n3A : vector<1x1760xi1>, vector<1x1760xf32>
    %and3A_26 = arith.andi %and3A_22, %ge3A_19 : vector<1x1760xi1>
    %and3A_27 = arith.andi %not3A_24, %ge3A : vector<1x1760xi1>
    %or3A_28 = arith.ori %and3A_26, %and3A_27 : vector<1x1760xi1>
    %and3A_29 = arith.andi %and3A, %ge3A_20 : vector<1x1760xi1>
    %not3A_30 = arith.constant dense<true> : vector<1x1760xi1>
    %not3A_31 = arith.xori %ge3A, %not3A_30 : vector<1x1760xi1>
    %and3A_32 = arith.andi %not3A_24, %not3A_31 : vector<1x1760xi1>
    %or3A_33 = arith.ori %and3A_29, %and3A_32 : vector<1x1760xi1>
    %not3A_34 = arith.constant dense<true> : vector<1x1760xi1>
    %not3A_35 = arith.xori %ge3A_20, %not3A_34 : vector<1x1760xi1>
    %and3A_36 = arith.andi %and3A, %not3A_35 : vector<1x1760xi1>
    %not3A_37 = arith.constant dense<true> : vector<1x1760xi1>
    %not3A_38 = arith.xori %ge3A_19, %not3A_37 : vector<1x1760xi1>
    %and3A_39 = arith.andi %and3A_22, %not3A_38 : vector<1x1760xi1>
    %or3A_40 = arith.ori %and3A_36, %and3A_39 : vector<1x1760xi1>
    %select_n3A_41 = arith.select %or3A_33, %div3A_17, %div3A_18 : vector<1x1760xi1>, vector<1x1760xf32>
    %select_n3A_42 = arith.select %or3A_28, %div3A, %select_n3A_41 : vector<1x1760xi1>, vector<1x1760xf32>
    %le3A = arith.constant 5.000000e-01 : f32
    %le3A_43 = vector.broadcast %le3A : f32 to vector<1x1760xf32>
    %le3A_44 = arith.cmpf ole, %select_n3A_25, %le3A_43 : vector<1x1760xf32>
    %convert_element_type3A_45 = arith.extui %le3A_44 : vector<1x1760xi1> to vector<1x1760xi32>
    %convert_element_type3A_46 = arith.sitofp %convert_element_type3A_45 : vector<1x1760xi32> to vector<1x1760xf32>
    %convert_element_type3A_47 = arith.extui %and3A : vector<1x1760xi1> to vector<1x1760xi32>
    %convert_element_type3A_48 = arith.sitofp %convert_element_type3A_47 : vector<1x1760xi32> to vector<1x1760xf32>
    %convert_element_type3A_49 = arith.extui %or3A_28 : vector<1x1760xi1> to vector<1x1760xi32>
    %convert_element_type3A_50 = arith.sitofp %convert_element_type3A_49 : vector<1x1760xi32> to vector<1x1760xf32>
    %mul3A = arith.mulf %convert_element_type3A_46, %convert_element_type3A_50 : vector<1x1760xf32>
    %add3A_51 = arith.addf %convert_element_type3A_48, %mul3A : vector<1x1760xf32>
    %convert_element_type3A_52 = arith.extui %and3A_22 : vector<1x1760xi1> to vector<1x1760xi32>
    %convert_element_type3A_53 = arith.sitofp %convert_element_type3A_52 : vector<1x1760xi32> to vector<1x1760xf32>
    %convert_element_type3A_54 = arith.extui %or3A_33 : vector<1x1760xi1> to vector<1x1760xi32>
    %convert_element_type3A_55 = arith.sitofp %convert_element_type3A_54 : vector<1x1760xi32> to vector<1x1760xf32>
    %mul3A_56 = arith.mulf %convert_element_type3A_46, %convert_element_type3A_55 : vector<1x1760xf32>
    %add3A_57 = arith.addf %convert_element_type3A_53, %mul3A_56 : vector<1x1760xf32>
    %convert_element_type3A_58 = arith.extui %not3A_24 : vector<1x1760xi1> to vector<1x1760xi32>
    %convert_element_type3A_59 = arith.sitofp %convert_element_type3A_58 : vector<1x1760xi32> to vector<1x1760xf32>
    %convert_element_type3A_60 = arith.extui %or3A_40 : vector<1x1760xi1> to vector<1x1760xi32>
    %convert_element_type3A_61 = arith.sitofp %convert_element_type3A_60 : vector<1x1760xi32> to vector<1x1760xf32>
    %mul3A_62 = arith.mulf %convert_element_type3A_46, %convert_element_type3A_61 : vector<1x1760xf32>
    %add3A_63 = arith.addf %convert_element_type3A_59, %mul3A_62 : vector<1x1760xf32>
    %add3A_64 = arith.constant 1.000000e-10 : f32
    %add3A_65 = vector.broadcast %add3A_64 : f32 to vector<1x1760xf32>
    %add3A_66 = arith.addf %div3A, %add3A_65 : vector<1x1760xf32>
    %log3A = math.log %add3A_66 : vector<1x1760xf32>
    %mul3A_67 = arith.mulf %div3A, %log3A : vector<1x1760xf32>
    %add3A_68 = arith.constant 1.000000e-10 : f32
    %add3A_69 = vector.broadcast %add3A_68 : f32 to vector<1x1760xf32>
    %add3A_70 = arith.addf %div3A_17, %add3A_69 : vector<1x1760xf32>
    %log3A_71 = math.log %add3A_70 : vector<1x1760xf32>
    %mul3A_72 = arith.mulf %div3A_17, %log3A_71 : vector<1x1760xf32>
    %add3A_73 = arith.addf %mul3A_67, %mul3A_72 : vector<1x1760xf32>
    %add3A_74 = arith.constant 1.000000e-10 : f32
    %add3A_75 = vector.broadcast %add3A_74 : f32 to vector<1x1760xf32>
    %add3A_76 = arith.addf %div3A_18, %add3A_75 : vector<1x1760xf32>
    %log3A_77 = math.log %add3A_76 : vector<1x1760xf32>
    %mul3A_78 = arith.mulf %div3A_18, %log3A_77 : vector<1x1760xf32>
    %add3A_79 = arith.addf %add3A_73, %mul3A_78 : vector<1x1760xf32>
    %neg3A = arith.constant 0.000000e+00 : f32
    %neg3A_80 = vector.broadcast %neg3A : f32 to vector<1x1760xf32>
    %neg3A_81 = arith.subf %neg3A_80, %add3A_79 : vector<1x1760xf32>
    %get3A_82 = arith.constant 0 : index
    %get3A_83 = memref.load %arg7[%get3A_82] : memref<1xf32, #tpu.memory_space<smem>>
    %reduce_sum3A = vector.shape_cast %neg3A_81 : vector<1x1760xf32> to vector<1x1x1760xf32>
    %reduce_sum3A_84 = arith.constant dense<0.000000e+00> : vector<1xf32>
    %reduce_sum3A_85 = vector.multi_reduction <add>, %reduce_sum3A, %reduce_sum3A_84 [1, 2] : vector<1x1x1760xf32> to vector<1xf32>
    %reduce_sum3A_86 = vector.shape_cast %reduce_sum3A_85 : vector<1xf32> to vector<1x1x1xf32>
    %reduce_sum3A_87 = vector.extract %reduce_sum3A_86[0, 0, 0] : f32 from vector<1x1x1xf32>
    %add3A_88 = arith.addf %get3A_83, %reduce_sum3A_87 : f32
    %swap3A = arith.constant 0 : index
    %swap3A_89 = memref.load %arg7[%swap3A] : memref<1xf32, #tpu.memory_space<smem>>
    memref.store %add3A_88, %arg7[%swap3A] : memref<1xf32, #tpu.memory_space<smem>>
    %get3A_90 = arith.constant 0 : index
    %get3A_91 = arith.constant 0 : index
    %get3A_92 = vector.load %arg6[%get3A_90, %get3A_91] : memref<2x1760xf32, #tpu.memory_space<vmem>>, vector<1x1760xf32>
    %add3A_93 = arith.addf %get3A_92, %select_n3A_25 : vector<1x1760xf32>
    %swap3A_94 = arith.constant 0 : index
    %swap3A_95 = arith.constant 0 : index
    %swap3A_96 = vector.load %arg6[%swap3A_94, %swap3A_95] : memref<2x1760xf32, #tpu.memory_space<vmem>>, vector<1x1760xf32>
    tpu.vector_store %arg6[%swap3A_94, %swap3A_95], %add3A_93 {strides = array<i32>} : memref<2x1760xf32, #tpu.memory_space<vmem>>, vector<1x1760xf32>,
    %get3A_97 = arith.constant 1 : index
    %get3A_98 = arith.constant 0 : index
    %get3A_99 = vector.load %arg6[%get3A_97, %get3A_98] : memref<2x1760xf32, #tpu.memory_space<vmem>>, vector<1x1760xf32>
    %mul3A_100 = arith.mulf %select_n3A_42, %convert_element_type3A_46 : vector<1x1760xf32>
    %add3A_101 = arith.addf %get3A_99, %mul3A_100 : vector<1x1760xf32>
    %swap3A_102 = arith.constant 1 : index
    %swap3A_103 = arith.constant 0 : index
    %swap3A_104 = vector.load %arg6[%swap3A_102, %swap3A_103] : memref<2x1760xf32, #tpu.memory_space<vmem>>, vector<1x1760xf32>
    tpu.vector_store %arg6[%swap3A_102, %swap3A_103], %add3A_101 {strides = array<i32>} : memref<2x1760xf32, #tpu.memory_space<vmem>>, vector<1x1760xf32>,
    %broadcast_in_dim3A = arith.constant 0.000000e+00 : f32
    %broadcast_in_dim3A_105 = vector.broadcast %broadcast_in_dim3A : f32 to vector<5x1760xf32>
    %concatenate3A = tpu.concatenate %add3A_51, %add3A_57, %add3A_63, %broadcast_in_dim3A_105 in 0 : vector<1x1760xf32>, vector<1x1760xf32>, vector<1x1760xf32>, vector<5x1760xf32> -> vector<8x1760xf32>
    %transpose3A = tpu.transpose %concatenate3A, [1, 0] : vector<8x1760xf32> -> vector<1760x8xf32>
    %get3A_106 = arith.constant 0 : index
    %get3A_107 = arith.constant 0 : index
    %get3A_108 = arith.constant 0 : index
    %get3A_109 = vector.load %arg2[%get3A_106, %get3A_107, %get3A_108] : memref<3x220x220xf32, #tpu.memory_space<vmem>>, vector<1x220x220xf32>
    %get3A_110 = vector.shape_cast %get3A_109 : vector<1x220x220xf32> to vector<220x220xf32>
    %get3A_111 = arith.constant 1 : index
    %get3A_112 = arith.constant 0 : index
    %get3A_113 = arith.constant 0 : index
    %get3A_114 = vector.load %arg2[%get3A_111, %get3A_112, %get3A_113] : memref<3x220x220xf32, #tpu.memory_space<vmem>>, vector<1x220x220xf32>
    %get3A_115 = vector.shape_cast %get3A_114 : vector<1x220x220xf32> to vector<220x220xf32>
    %get3A_116 = arith.constant 2 : index
    %get3A_117 = arith.constant 0 : index
    %get3A_118 = arith.constant 0 : index
    %get3A_119 = vector.load %arg2[%get3A_116, %get3A_117, %get3A_118] : memref<3x220x220xf32, #tpu.memory_space<vmem>>, vector<1x220x220xf32>
    %get3A_120 = vector.shape_cast %get3A_119 : vector<1x220x220xf32> to vector<220x220xf32>
    %iota3A = tpu.iota {dimensions = array<i32: 0>} : vector<220x220xi32>
    %iota3A_121 = tpu.iota {dimensions = array<i32: 1>} : vector<220x220xi32>
    %eq3A_122 = arith.cmpi eq, %iota3A, %iota3A_121 : vector<220x220xi32>
    %convert_element_type3A_123 = arith.extui %eq3A_122 : vector<220x220xi1> to vector<220x220xi32>
    %convert_element_type3A_124 = arith.sitofp %convert_element_type3A_123 : vector<220x220xi32> to vector<220x220xf32>
    %slice3A_125 = vector.extract_strided_slice %transpose3A {offsets = [0, 0], sizes = [220, 8], strides = [1, 1]} : vector<1760x8xf32> to vector<220x8xf32>
    %slice3A_126 = vector.extract_strided_slice %slice3A_125 {offsets = [0, 0], sizes = [220, 1], strides = [1, 1]} : vector<220x8xf32> to vector<220x1xf32>
    %mul3A_127 = vector.broadcast %slice3A_126 : vector<220x1xf32> to vector<220x220xf32>
    %mul3A_128 = arith.mulf %mul3A_127, %get3A_110 : vector<220x220xf32>
    %slice3A_129 = vector.extract_strided_slice %slice3A_125 {offsets = [0, 1], sizes = [220, 1], strides = [1, 1]} : vector<220x8xf32> to vector<220x1xf32>
    %mul3A_130 = vector.broadcast %slice3A_129 : vector<220x1xf32> to vector<220x220xf32>
    %mul3A_131 = arith.mulf %mul3A_130, %get3A_115 : vector<220x220xf32>
    %add3A_132 = arith.addf %mul3A_128, %mul3A_131 : vector<220x220xf32>
    %slice3A_133 = vector.extract_strided_slice %slice3A_125 {offsets = [0, 2], sizes = [220, 1], strides = [1, 1]} : vector<220x8xf32> to vector<220x1xf32>
    %mul3A_134 = vector.broadcast %slice3A_133 : vector<220x1xf32> to vector<220x220xf32>
    %mul3A_135 = arith.mulf %mul3A_134, %get3A_120 : vector<220x220xf32>
    %add3A_136 = arith.addf %add3A_132, %mul3A_135 : vector<220x220xf32>
    %add3A_137 = arith.addf %add3A_136, %convert_element_type3A_124 : vector<220x220xf32>
    %swap3A_138 = arith.constant 0 : index
    %swap3A_139 = arith.constant 0 : index
    %swap3A_140 = arith.constant 0 : index
    %swap3A_141 = vector.load %arg4[%swap3A_138, %swap3A_139, %swap3A_140] : memref<8x220x220xf32, #tpu.memory_space<vmem>>, vector<1x220x220xf32>
    %swap3A_142 = vector.shape_cast %swap3A_141 : vector<1x220x220xf32> to vector<220x220xf32>
    %swap3A_143 = vector.shape_cast %add3A_137 : vector<220x220xf32> to vector<1x220x220xf32>
    tpu.vector_store %arg4[%swap3A_138, %swap3A_139, %swap3A_140], %swap3A_143 {strides = array<i32>} : memref<8x220x220xf32, #tpu.memory_space<vmem>>, vector<1x220x220xf32>,
    %slice3A_144 = vector.extract_strided_slice %transpose3A {offsets = [220, 0], sizes = [220, 8], strides = [1, 1]} : vector<1760x8xf32> to vector<220x8xf32>
    %slice3A_145 = vector.extract_strided_slice %slice3A_144 {offsets = [0, 0], sizes = [220, 1], strides = [1, 1]} : vector<220x8xf32> to vector<220x1xf32>
    %mul3A_146 = vector.broadcast %slice3A_145 : vector<220x1xf32> to vector<220x220xf32>
    %mul3A_147 = arith.mulf %mul3A_146, %get3A_110 : vector<220x220xf32>
    %slice3A_148 = vector.extract_strided_slice %slice3A_144 {offsets = [0, 1], sizes = [220, 1], strides = [1, 1]} : vector<220x8xf32> to vector<220x1xf32>
    %mul3A_149 = vector.broadcast %slice3A_148 : vector<220x1xf32> to vector<220x220xf32>
    %mul3A_150 = arith.mulf %mul3A_149, %get3A_115 : vector<220x220xf32>
    %add3A_151 = arith.addf %mul3A_147, %mul3A_150 : vector<220x220xf32>
    %slice3A_152 = vector.extract_strided_slice %slice3A_144 {offsets = [0, 2], sizes = [220, 1], strides = [1, 1]} : vector<220x8xf32> to vector<220x1xf32>
    %mul3A_153 = vector.broadcast %slice3A_152 : vector<220x1xf32> to vector<220x220xf32>
    %mul3A_154 = arith.mulf %mul3A_153, %get3A_120 : vector<220x220xf32>
    %add3A_155 = arith.addf %add3A_151, %mul3A_154 : vector<220x220xf32>
    %add3A_156 = arith.addf %add3A_155, %convert_element_type3A_124 : vector<220x220xf32>
    %swap3A_157 = arith.constant 1 : index
    %swap3A_158 = arith.constant 0 : index
    %swap3A_159 = arith.constant 0 : index
    %swap3A_160 = vector.load %arg4[%swap3A_157, %swap3A_158, %swap3A_159] : memref<8x220x220xf32, #tpu.memory_space<vmem>>, vector<1x220x220xf32>
    %swap3A_161 = vector.shape_cast %swap3A_160 : vector<1x220x220xf32> to vector<220x220xf32>
    %swap3A_162 = vector.shape_cast %add3A_156 : vector<220x220xf32> to vector<1x220x220xf32>
    tpu.vector_store %arg4[%swap3A_157, %swap3A_158, %swap3A_159], %swap3A_162 {strides = array<i32>} : memref<8x220x220xf32, #tpu.memory_space<vmem>>, vector<1x220x220xf32>,
    %slice3A_163 = vector.extract_strided_slice %transpose3A {offsets = [440, 0], sizes = [220, 8], strides = [1, 1]} : vector<1760x8xf32> to vector<220x8xf32>
    %slice3A_164 = vector.extract_strided_slice %slice3A_163 {offsets = [0, 0], sizes = [220, 1], strides = [1, 1]} : vector<220x8xf32> to vector<220x1xf32>
    %mul3A_165 = vector.broadcast %slice3A_164 : vector<220x1xf32> to vector<220x220xf32>
    %mul3A_166 = arith.mulf %mul3A_165, %get3A_110 : vector<220x220xf32>
    %slice3A_167 = vector.extract_strided_slice %slice3A_163 {offsets = [0, 1], sizes = [220, 1], strides = [1, 1]} : vector<220x8xf32> to vector<220x1xf32>
    %mul3A_168 = vector.broadcast %slice3A_167 : vector<220x1xf32> to vector<220x220xf32>
    %mul3A_169 = arith.mulf %mul3A_168, %get3A_115 : vector<220x220xf32>
    %add3A_170 = arith.addf %mul3A_166, %mul3A_169 : vector<220x220xf32>
    %slice3A_171 = vector.extract_strided_slice %slice3A_163 {offsets = [0, 2], sizes = [220, 1], strides = [1, 1]} : vector<220x8xf32> to vector<220x1xf32>
    %mul3A_172 = vector.broadcast %slice3A_171 : vector<220x1xf32> to vector<220x220xf32>
    %mul3A_173 = arith.mulf %mul3A_172, %get3A_120 : vector<220x220xf32>
    %add3A_174 = arith.addf %add3A_170, %mul3A_173 : vector<220x220xf32>
    %add3A_175 = arith.addf %add3A_174, %convert_element_type3A_124 : vector<220x220xf32>
    %swap3A_176 = arith.constant 2 : index
    %swap3A_177 = arith.constant 0 : index
    %swap3A_178 = arith.constant 0 : index
    %swap3A_179 = vector.load %arg4[%swap3A_176, %swap3A_177, %swap3A_178] : memref<8x220x220xf32, #tpu.memory_space<vmem>>, vector<1x220x220xf32>
    %swap3A_180 = vector.shape_cast %swap3A_179 : vector<1x220x220xf32> to vector<220x220xf32>
    %swap3A_181 = vector.shape_cast %add3A_175 : vector<220x220xf32> to vector<1x220x220xf32>
    tpu.vector_store %arg4[%swap3A_176, %swap3A_177, %swap3A_178], %swap3A_181 {strides = array<i32>} : memref<8x220x220xf32, #tpu.memory_space<vmem>>, vector<1x220x220xf32>,
    %slice3A_182 = vector.extract_strided_slice %transpose3A {offsets = [660, 0], sizes = [220, 8], strides = [1, 1]} : vector<1760x8xf32> to vector<220x8xf32>
    %slice3A_183 = vector.extract_strided_slice %slice3A_182 {offsets = [0, 0], sizes = [220, 1], strides = [1, 1]} : vector<220x8xf32> to vector<220x1xf32>
    %mul3A_184 = vector.broadcast %slice3A_183 : vector<220x1xf32> to vector<220x220xf32>
    %mul3A_185 = arith.mulf %mul3A_184, %get3A_110 : vector<220x220xf32>
    %slice3A_186 = vector.extract_strided_slice %slice3A_182 {offsets = [0, 1], sizes = [220, 1], strides = [1, 1]} : vector<220x8xf32> to vector<220x1xf32>
    %mul3A_187 = vector.broadcast %slice3A_186 : vector<220x1xf32> to vector<220x220xf32>
    %mul3A_188 = arith.mulf %mul3A_187, %get3A_115 : vector<220x220xf32>
    %add3A_189 = arith.addf %mul3A_185, %mul3A_188 : vector<220x220xf32>
    %slice3A_190 = vector.extract_strided_slice %slice3A_182 {offsets = [0, 2], sizes = [220, 1], strides = [1, 1]} : vector<220x8xf32> to vector<220x1xf32>
    %mul3A_191 = vector.broadcast %slice3A_190 : vector<220x1xf32> to vector<220x220xf32>
    %mul3A_192 = arith.mulf %mul3A_191, %get3A_120 : vector<220x220xf32>
    %add3A_193 = arith.addf %add3A_189, %mul3A_192 : vector<220x220xf32>
    %add3A_194 = arith.addf %add3A_193, %convert_element_type3A_124 : vector<220x220xf32>
    %swap3A_195 = arith.constant 3 : index
    %swap3A_196 = arith.constant 0 : index
    %swap3A_197 = arith.constant 0 : index
    %swap3A_198 = vector.load %arg4[%swap3A_195, %swap3A_196, %swap3A_197] : memref<8x220x220xf32, #tpu.memory_space<vmem>>, vector<1x220x220xf32>
    %swap3A_199 = vector.shape_cast %swap3A_198 : vector<1x220x220xf32> to vector<220x220xf32>
    %swap3A_200 = vector.shape_cast %add3A_194 : vector<220x220xf32> to vector<1x220x220xf32>
    tpu.vector_store %arg4[%swap3A_195, %swap3A_196, %swap3A_197], %swap3A_200 {strides = array<i32>} : memref<8x220x220xf32, #tpu.memory_space<vmem>>, vector<1x220x220xf32>,
    %slice3A_201 = vector.extract_strided_slice %transpose3A {offsets = [880, 0], sizes = [220, 8], strides = [1, 1]} : vector<1760x8xf32> to vector<220x8xf32>
    %slice3A_202 = vector.extract_strided_slice %slice3A_201 {offsets = [0, 0], sizes = [220, 1], strides = [1, 1]} : vector<220x8xf32> to vector<220x1xf32>
    %mul3A_203 = vector.broadcast %slice3A_202 : vector<220x1xf32> to vector<220x220xf32>
    %mul3A_204 = arith.mulf %mul3A_203, %get3A_110 : vector<220x220xf32>
    %slice3A_205 = vector.extract_strided_slice %slice3A_201 {offsets = [0, 1], sizes = [220, 1], strides = [1, 1]} : vector<220x8xf32> to vector<220x1xf32>
    %mul3A_206 = vector.broadcast %slice3A_205 : vector<220x1xf32> to vector<220x220xf32>
    %mul3A_207 = arith.mulf %mul3A_206, %get3A_115 : vector<220x220xf32>
    %add3A_208 = arith.addf %mul3A_204, %mul3A_207 : vector<220x220xf32>
    %slice3A_209 = vector.extract_strided_slice %slice3A_201 {offsets = [0, 2], sizes = [220, 1], strides = [1, 1]} : vector<220x8xf32> to vector<220x1xf32>
    %mul3A_210 = vector.broadcast %slice3A_209 : vector<220x1xf32> to vector<220x220xf32>
    %mul3A_211 = arith.mulf %mul3A_210, %get3A_120 : vector<220x220xf32>
    %add3A_212 = arith.addf %add3A_208, %mul3A_211 : vector<220x220xf32>
    %add3A_213 = arith.addf %add3A_212, %convert_element_type3A_124 : vector<220x220xf32>
    %swap3A_214 = arith.constant 4 : index
    %swap3A_215 = arith.constant 0 : index
    %swap3A_216 = arith.constant 0 : index
    %swap3A_217 = vector.load %arg4[%swap3A_214, %swap3A_215, %swap3A_216] : memref<8x220x220xf32, #tpu.memory_space<vmem>>, vector<1x220x220xf32>
    %swap3A_218 = vector.shape_cast %swap3A_217 : vector<1x220x220xf32> to vector<220x220xf32>
    %swap3A_219 = vector.shape_cast %add3A_213 : vector<220x220xf32> to vector<1x220x220xf32>
    tpu.vector_store %arg4[%swap3A_214, %swap3A_215, %swap3A_216], %swap3A_219 {strides = array<i32>} : memref<8x220x220xf32, #tpu.memory_space<vmem>>, vector<1x220x220xf32>,
    %slice3A_220 = vector.extract_strided_slice %transpose3A {offsets = [1100, 0], sizes = [220, 8], strides = [1, 1]} : vector<1760x8xf32> to vector<220x8xf32>
    %slice3A_221 = vector.extract_strided_slice %slice3A_220 {offsets = [0, 0], sizes = [220, 1], strides = [1, 1]} : vector<220x8xf32> to vector<220x1xf32>
    %mul3A_222 = vector.broadcast %slice3A_221 : vector<220x1xf32> to vector<220x220xf32>
    %mul3A_223 = arith.mulf %mul3A_222, %get3A_110 : vector<220x220xf32>
    %slice3A_224 = vector.extract_strided_slice %slice3A_220 {offsets = [0, 1], sizes = [220, 1], strides = [1, 1]} : vector<220x8xf32> to vector<220x1xf32>
    %mul3A_225 = vector.broadcast %slice3A_224 : vector<220x1xf32> to vector<220x220xf32>
    %mul3A_226 = arith.mulf %mul3A_225, %get3A_115 : vector<220x220xf32>
    %add3A_227 = arith.addf %mul3A_223, %mul3A_226 : vector<220x220xf32>
    %slice3A_228 = vector.extract_strided_slice %slice3A_220 {offsets = [0, 2], sizes = [220, 1], strides = [1, 1]} : vector<220x8xf32> to vector<220x1xf32>
    %mul3A_229 = vector.broadcast %slice3A_228 : vector<220x1xf32> to vector<220x220xf32>
    %mul3A_230 = arith.mulf %mul3A_229, %get3A_120 : vector<220x220xf32>
    %add3A_231 = arith.addf %add3A_227, %mul3A_230 : vector<220x220xf32>
    %add3A_232 = arith.addf %add3A_231, %convert_element_type3A_124 : vector<220x220xf32>
    %swap3A_233 = arith.constant 5 : index
    %swap3A_234 = arith.constant 0 : index
    %swap3A_235 = arith.constant 0 : index
    %swap3A_236 = vector.load %arg4[%swap3A_233, %swap3A_234, %swap3A_235] : memref<8x220x220xf32, #tpu.memory_space<vmem>>, vector<1x220x220xf32>
    %swap3A_237 = vector.shape_cast %swap3A_236 : vector<1x220x220xf32> to vector<220x220xf32>
    %swap3A_238 = vector.shape_cast %add3A_232 : vector<220x220xf32> to vector<1x220x220xf32>
    tpu.vector_store %arg4[%swap3A_233, %swap3A_234, %swap3A_235], %swap3A_238 {strides = array<i32>} : memref<8x220x220xf32, #tpu.memory_space<vmem>>, vector<1x220x220xf32>,
    %slice3A_239 = vector.extract_strided_slice %transpose3A {offsets = [1320, 0], sizes = [220, 8], strides = [1, 1]} : vector<1760x8xf32> to vector<220x8xf32>
    %slice3A_240 = vector.extract_strided_slice %slice3A_239 {offsets = [0, 0], sizes = [220, 1], strides = [1, 1]} : vector<220x8xf32> to vector<220x1xf32>
    %mul3A_241 = vector.broadcast %slice3A_240 : vector<220x1xf32> to vector<220x220xf32>
    %mul3A_242 = arith.mulf %mul3A_241, %get3A_110 : vector<220x220xf32>
    %slice3A_243 = vector.extract_strided_slice %slice3A_239 {offsets = [0, 1], sizes = [220, 1], strides = [1, 1]} : vector<220x8xf32> to vector<220x1xf32>
    %mul3A_244 = vector.broadcast %slice3A_243 : vector<220x1xf32> to vector<220x220xf32>
    %mul3A_245 = arith.mulf %mul3A_244, %get3A_115 : vector<220x220xf32>
    %add3A_246 = arith.addf %mul3A_242, %mul3A_245 : vector<220x220xf32>
    %slice3A_247 = vector.extract_strided_slice %slice3A_239 {offsets = [0, 2], sizes = [220, 1], strides = [1, 1]} : vector<220x8xf32> to vector<220x1xf32>
    %mul3A_248 = vector.broadcast %slice3A_247 : vector<220x1xf32> to vector<220x220xf32>
    %mul3A_249 = arith.mulf %mul3A_248, %get3A_120 : vector<220x220xf32>
    %add3A_250 = arith.addf %add3A_246, %mul3A_249 : vector<220x220xf32>
    %add3A_251 = arith.addf %add3A_250, %convert_element_type3A_124 : vector<220x220xf32>
    %swap3A_252 = arith.constant 6 : index
    %swap3A_253 = arith.constant 0 : index
    %swap3A_254 = arith.constant 0 : index
    %swap3A_255 = vector.load %arg4[%swap3A_252, %swap3A_253, %swap3A_254] : memref<8x220x220xf32, #tpu.memory_space<vmem>>, vector<1x220x220xf32>
    %swap3A_256 = vector.shape_cast %swap3A_255 : vector<1x220x220xf32> to vector<220x220xf32>
    %swap3A_257 = vector.shape_cast %add3A_251 : vector<220x220xf32> to vector<1x220x220xf32>
    tpu.vector_store %arg4[%swap3A_252, %swap3A_253, %swap3A_254], %swap3A_257 {strides = array<i32>} : memref<8x220x220xf32, #tpu.memory_space<vmem>>, vector<1x220x220xf32>,
    %slice3A_258 = vector.extract_strided_slice %transpose3A {offsets = [1540, 0], sizes = [220, 8], strides = [1, 1]} : vector<1760x8xf32> to vector<220x8xf32>
    %slice3A_259 = vector.extract_strided_slice %slice3A_258 {offsets = [0, 0], sizes = [220, 1], strides = [1, 1]} : vector<220x8xf32> to vector<220x1xf32>
    %mul3A_260 = vector.broadcast %slice3A_259 : vector<220x1xf32> to vector<220x220xf32>
    %mul3A_261 = arith.mulf %mul3A_260, %get3A_110 : vector<220x220xf32>
    %slice3A_262 = vector.extract_strided_slice %slice3A_258 {offsets = [0, 1], sizes = [220, 1], strides = [1, 1]} : vector<220x8xf32> to vector<220x1xf32>
    %mul3A_263 = vector.broadcast %slice3A_262 : vector<220x1xf32> to vector<220x220xf32>
    %mul3A_264 = arith.mulf %mul3A_263, %get3A_115 : vector<220x220xf32>
    %add3A_265 = arith.addf %mul3A_261, %mul3A_264 : vector<220x220xf32>
    %slice3A_266 = vector.extract_strided_slice %slice3A_258 {offsets = [0, 2], sizes = [220, 1], strides = [1, 1]} : vector<220x8xf32> to vector<220x1xf32>
    %mul3A_267 = vector.broadcast %slice3A_266 : vector<220x1xf32> to vector<220x220xf32>
    %mul3A_268 = arith.mulf %mul3A_267, %get3A_120 : vector<220x220xf32>
    %add3A_269 = arith.addf %add3A_265, %mul3A_268 : vector<220x220xf32>
    %add3A_270 = arith.addf %add3A_269, %convert_element_type3A_124 : vector<220x220xf32>
    %swap3A_271 = arith.constant 7 : index
    %swap3A_272 = arith.constant 0 : index
    %swap3A_273 = arith.constant 0 : index
    %swap3A_274 = vector.load %arg4[%swap3A_271, %swap3A_272, %swap3A_273] : memref<8x220x220xf32, #tpu.memory_space<vmem>>, vector<1x220x220xf32>
    %swap3A_275 = vector.shape_cast %swap3A_274 : vector<1x220x220xf32> to vector<220x220xf32>
    %swap3A_276 = vector.shape_cast %add3A_270 : vector<220x220xf32> to vector<1x220x220xf32>
    tpu.vector_store %arg4[%swap3A_271, %swap3A_272, %swap3A_273], %swap3A_276 {strides = array<i32>} : memref<8x220x220xf32, #tpu.memory_space<vmem>>, vector<1x220x220xf32>,
    %eq3A_277 = arith.constant 63 : i32
    %eq3A_278 = arith.cmpi eq, %arg0, %eq3A_277 : i32
    %convert_element_type3A_279 = arith.extui %eq3A_278 : i1 to i32
    %cond3A_280 = arith.constant 0 : i32
    %cond3A_281 = arith.cmpi ne, %convert_element_type3A_279, %cond3A_280 : i32
    scf.if %cond3A_281 {
      %get3A_282 = arith.constant 0 : index
      %get3A_283 = arith.constant 0 : index
      %get3A_284 = vector.load %arg6[%get3A_282, %get3A_283] : memref<2x1760xf32, #tpu.memory_space<vmem>>, vector<2x220xf32>
      %get3A_285 = arith.constant 0 : index
      %get3A_286 = arith.constant 220 : index
      %get3A_287 = vector.load %arg6[%get3A_285, %get3A_286] : memref<2x1760xf32, #tpu.memory_space<vmem>>, vector<2x220xf32>
      %add3A_288 = arith.addf %get3A_284, %get3A_287 : vector<2x220xf32>
      %get3A_289 = arith.constant 0 : index
      %get3A_290 = arith.constant 440 : index
      %get3A_291 = vector.load %arg6[%get3A_289, %get3A_290] : memref<2x1760xf32, #tpu.memory_space<vmem>>, vector<2x220xf32>
      %add3A_292 = arith.addf %add3A_288, %get3A_291 : vector<2x220xf32>
      %get3A_293 = arith.constant 0 : index
      %get3A_294 = arith.constant 660 : index
      %get3A_295 = vector.load %arg6[%get3A_293, %get3A_294] : memref<2x1760xf32, #tpu.memory_space<vmem>>, vector<2x220xf32>
      %add3A_296 = arith.addf %add3A_292, %get3A_295 : vector<2x220xf32>
      %get3A_297 = arith.constant 0 : index
      %get3A_298 = arith.constant 880 : index
      %get3A_299 = vector.load %arg6[%get3A_297, %get3A_298] : memref<2x1760xf32, #tpu.memory_space<vmem>>, vector<2x220xf32>
      %add3A_300 = arith.addf %add3A_296, %get3A_299 : vector<2x220xf32>
      %get3A_301 = arith.constant 0 : index
      %get3A_302 = arith.constant 1100 : index
      %get3A_303 = vector.load %arg6[%get3A_301, %get3A_302] : memref<2x1760xf32, #tpu.memory_space<vmem>>, vector<2x220xf32>
      %add3A_304 = arith.addf %add3A_300, %get3A_303 : vector<2x220xf32>
      %get3A_305 = arith.constant 0 : index
      %get3A_306 = arith.constant 1320 : index
      %get3A_307 = vector.load %arg6[%get3A_305, %get3A_306] : memref<2x1760xf32, #tpu.memory_space<vmem>>, vector<2x220xf32>
      %add3A_308 = arith.addf %add3A_304, %get3A_307 : vector<2x220xf32>
      %get3A_309 = arith.constant 0 : index
      %get3A_310 = arith.constant 1540 : index
      %get3A_311 = vector.load %arg6[%get3A_309, %get3A_310] : memref<2x1760xf32, #tpu.memory_space<vmem>>, vector<2x220xf32>
      %add3A_312 = arith.addf %add3A_308, %get3A_311 : vector<2x220xf32>
      %reduce_sum3A_313 = vector.shape_cast %add3A_312 : vector<2x220xf32> to vector<1x2x220xf32>
      %reduce_sum3A_314 = arith.constant dense<0.000000e+00> : vector<1xf32>
      %reduce_sum3A_315 = vector.multi_reduction <add>, %reduce_sum3A_313, %reduce_sum3A_314 [1, 2] : vector<1x2x220xf32> to vector<1xf32>
      %reduce_sum3A_316 = vector.shape_cast %reduce_sum3A_315 : vector<1xf32> to vector<1x1x1xf32>
      %reduce_sum3A_317 = vector.extract %reduce_sum3A_316[0, 0, 0] : f32 from vector<1x1x1xf32>
      %div3A_318 = arith.constant 6.600000e+02 : f32
      %div3A_319 = arith.divf %reduce_sum3A_317, %div3A_318 : f32
      %sub3A_320 = vector.broadcast %div3A_319 : f32 to vector<2x220xf32>
      %sub3A_321 = arith.subf %add3A_312, %sub3A_320 : vector<2x220xf32>
      %mul3A_322 = arith.mulf %sub3A_321, %sub3A_321 : vector<2x220xf32>
      %reduce_sum3A_323 = vector.shape_cast %mul3A_322 : vector<2x220xf32> to vector<1x2x220xf32>
      %reduce_sum3A_324 = arith.constant dense<0.000000e+00> : vector<1xf32>
      %reduce_sum3A_325 = vector.multi_reduction <add>, %reduce_sum3A_323, %reduce_sum3A_324 [1, 2] : vector<1x2x220xf32> to vector<1xf32>
      %reduce_sum3A_326 = vector.shape_cast %reduce_sum3A_325 : vector<1xf32> to vector<1x1x1xf32>
      %reduce_sum3A_327 = vector.extract %reduce_sum3A_326[0, 0, 0] : f32 from vector<1x1x1xf32>
      %mul3A_328 = arith.constant 2.200000e+02 : f32
      %mul3A_329 = arith.mulf %mul3A_328, %div3A_319 : f32
      %mul3A_330 = arith.mulf %mul3A_329, %div3A_319 : f32
      %add3A_331 = arith.addf %reduce_sum3A_327, %mul3A_330 : f32
      %sub3A_332 = arith.constant 6.600000e+02 : f32
      %sub3A_333 = arith.constant 1.000000e+00 : f32
      %sub3A_334 = arith.subf %sub3A_332, %sub3A_333 : f32
      %div3A_335 = arith.divf %add3A_331, %sub3A_334 : f32
      %mul3A_336 = arith.mulf %div3A_319, %div3A_319 : f32
      %add3A_337 = arith.constant 1.000000e-10 : f32
      %add3A_338 = arith.addf %mul3A_336, %add3A_337 : f32
      %div3A_339 = arith.divf %div3A_335, %add3A_338 : f32
      %get3A_340 = arith.constant 0 : index
      %get3A_341 = memref.load %arg7[%get3A_340] : memref<1xf32, #tpu.memory_space<smem>>
      %div3A_342 = arith.constant 1.536000e+03 : f32
      %div3A_343 = arith.divf %get3A_341, %div3A_342 : f32
      %mul3A_344 = arith.constant 1.000000e-01 : f32
      %mul3A_345 = arith.mulf %mul3A_344, %div3A_343 : f32
      %add3A_346 = arith.addf %div3A_339, %mul3A_345 : f32
      %swap3A_347 = arith.constant 0 : index
      %swap3A_348 = memref.load %arg5[%swap3A_347] : memref<1xf32, #tpu.memory_space<smem>>
      memref.store %add3A_346, %arg5[%swap3A_347] : memref<1xf32, #tpu.memory_space<smem>>
    } else {
    }
    return
  }
  func.func @transform_0(%arg0: i32) -> (i32, i32, i32) {
    %c0_i32 = arith.constant 0 : i32
    %c0_i32_0 = arith.constant 0 : i32
    %c0_i32_1 = arith.constant 0 : i32
    return %arg0, %c0_i32, %c0_i32_0 : i32, i32, i32
  }
  func.func @transform_1(%arg0: i32) -> (i32, i32, i32) {
    %c0_i32 = arith.constant 0 : i32
    %c0_i32_0 = arith.constant 0 : i32
    %c0_i32_1 = arith.constant 0 : i32
    %c0_i32_2 = arith.constant 0 : i32
    return %c0_i32, %c0_i32_0, %c0_i32_1 : i32, i32, i32
  }
  func.func @transform_2(%arg0: i32) -> (i32, i32) {
    %c0_i32 = arith.constant 0 : i32
    %c0_i32_0 = arith.constant 0 : i32
    %c0_i32_1 = arith.constant 0 : i32
    return %c0_i32, %c0_i32_0 : i32, i32
  }
  func.func @transform_3(%arg0: i32) -> (i32, i32, i32) {
    %c0_i32 = arith.constant 0 : i32
    %c0_i32_0 = arith.constant 0 : i32
    %c0_i32_1 = arith.constant 0 : i32
    return %arg0, %c0_i32, %c0_i32_0 : i32, i32, i32
  }
  func.func @transform_4(%arg0: i32) -> i32 {
    %c0_i32 = arith.constant 0 : i32
    %c0_i32_0 = arith.constant 0 : i32
    return %c0_i32 : i32
  }
}

</mosaic_0001>

<sc_bundles>
// kernel: sparse-core-data-format-call.cloned.1.call-start
scs
called_computation_lowered:
.L_overlay_start_0:
0x0: {  	s2 =	sld [smem:$0x3FD9]  }
0x1: {  	s3 =	sld [smem:$0x3FFE];
	_ =	sdelay $0x1  }
0x2: {  	s1 =	srdreg.scid  }
0x3: {  	s0 =	sand.u32 $0x1, s1  }
0x4: {  	s15 =	sshll.u32 s0, $0xA;
	s2 =	sadd.s32 s3, s2  }
0x5: {  	s2 =	sadd.s32 s2, s15  }
0x6: {  	[smem:$0x3FC5] =	sst s2  }
0x7: {  	_ = 	snop  }
0x8: {  	s2 =	sld [smem:$0x3FD0];
	_ =	sdelay $0x2  }
0x9: {  	s16 =	simm.s32 $0xA;
	s4 =	simm.s32 $0x10  }
0xa: {  	[smem:s4], [sflag:s16] =	dma.local [hbm:s2], $0x1  }
0xb: {  	_ =	swait.eq [sflag:s16], $0x1  }
0xc: {  	[sflag:s16] =	ssyncset.done $0x0  }
0xd: {  	[sflag:s16] =	ssyncadd.s32 $0xFFFFFFFF  }
0xe: {  	s17 =	sld [smem:$0x10];
	(tm) =	ssettm $0x1  }
0xf: {  	s18 =	sld [smem:$0x3FFB];
	_ =	sdelay $0x3  }
0x10: {  	_ =	strace s18  }
0x11: {  	s3 =	sld [smem:$0x3FFC];
	_ =	sdelay $0x3  }
0x12: {  	_ =	strace s3  }
0x13: {  	s3 =	sld [smem:$0x3FFD];
	_ =	sdelay $0x3  }
0x14: {  	_ =	strace s3  }
0x15: {  	_ =	strace $0x8FFFFFFF  }
0x16: {  	s19 =	sld [smem:$0x3FDB];
	_ =	sdelay $0x1  }
0x17: {  	s20 =	simm.s32 $_scs_section_size  }
0x18: {  	s5 =	simm.s32 $_size__tile_overlayer_lowered;
	s6 =	simm.s32 $_tile_overlayer_lowered  }
0x19: {  	s23 =	simm.s32 $0x1BFF;
	s22 =	sshll.u32 s6, $0x1;
	s3 =	sadd.s32 s20, s19  }
0x1a: {  	s7 =	simm.s32 $0x0;
	s21 =	sshll.u32 s5, $0x1;
	s5 =	sadd.s32 s22, s3  }
0x1b: {  	[timem:s7], [sflag:s23] =	dma.local [hbm:s5], s21  }
0x1c: {  	_ =	swait.ge [sflag:s23], s21  }
0x1d: {  	s4 =	ssub.s32 $0x0, s21;
	[sflag:s23] =	ssyncset.done $0x0  }
0x1e: {  	[sflag:s23] =	ssyncadd.s32 s4;
	_ =	sdelay $0x1  }
0x1f: {  	s24 =	simm.s32 $0x1B8B  }
0x20: {  	_ =	swait.ge [sflag:s24], $0x1  }
0x21: {  	[sflag:s24] =	ssyncset.done $0x0  }
0x22: {  	s26 =	simm.s32 $0x1B8E;
	s25 =	sld [smem:$0x3FFE];
	[sflag:s24] =	ssyncadd.s32 $0xFFFFFFFF  }
0x23: {  	s27 =	simm.s32 $execute0_lowered;
	[smem:$0x3FD2] =	sst s26  }
0x24: {  	s5 =	sshll.u32 s27, $0x1;
	_ =	strace $0x80000046;
	[dreg:$0x1] =	wrdreg $0xFFFFFFFF  }
0x25: {  	s28 =	simm.s32 $_size_execute0_lowered;
	s3 =	sadd.s32 s3, s5;
	[dreg:$0x0] =	wrdreg $0x0  }
0x26: {  	s5 =	sshll.u32 s28, $0x1;
	[dreg:$0x2] =	wrdreg s3  }
0x27: {  	[dreg:$0x3] =	wrdreg s5  }
0x28: {  	[dreg:$0x4] =	wrdreg $0xC0  }
0x29: {  	_ =	task [dreg:s7], $0x5FFFF  }
0x2a: {  	[dreg:$0x1] =	wrdreg $0xFFFFFFFF  }
0x2b: {  	[dreg:$0x0] =	wrdreg $0x60  }
0x2c: {  	[dreg:$0x2] =	wrdreg s25  }
0x2d: {  	[dreg:$0x3] =	wrdreg s17  }
0x2e: {  	[dreg:$0x4] =	wrdreg $0x9  }
0x2f: {  	_ =	task.clear_ibuf [dreg:s7], $0x5FFFF;
	_ =	strace $0x90000046  }
0x30: {  	s29 =	simm.s32 $0x9;
	_ =	strace $0x80000048  }
0x31: {  	_ =	swait.ge [sflag:s29], $0x1  }
0x32: {  	[sflag:s29] =	ssyncadd.s32 $0xFFFFFFFF  }
0x33: {  	_ =	strace $0x90000048  }
0x34: {  	_ =	sfence  }
0x35: {  	s30 =	sld [smem:$0x0];
	_ =	sdelay $0x2  }
0x36: {  	s31 =	sshll.u32 s1, $0xD;
	s1 =	sshrl.u32 s1, $0x2  }
0x37: {  	s3 =	sand.u32 $0x4000, s31;
	s1 =	sadd.s32 s1, s30  }
0x38: {  	s0 =	sor.u32 s3, s0;
	s1 =	sshll.u32 s1, $0x11  }
0x39: {  	s0 =	sor.u32 s1, s0  }
0x3a: {  	s0 =	sadd.s32 $0x8F2B, s0  }
0x3b: {  	[sflag:s0] =	ssyncadd.remote.s32 $0x1  }
0x3c: {  	_ =	sfence.sel $0xFFFF  }
0x3d: {  	[dreg:$0x0] =	wrdreg $0xFFFFFFFF;
	(pc) =	sbr.abs _section_cstart, $3  }
0x3e: {  	[dreg:$0x1] =	wrdreg $0xFFFFFFFF  }
0x3f: {  	_ =	task.clear_ibuf [dreg:s7], $0x2FFFF;
	_ =	strace $0x9FFFFFFF  }
0x40: {  	(tm) =	ssettm $0x7FFFFFFF  }
0x41: {  	_ =	shalt  }
tec
execute0_lowered:
.L_overlay_start_1:
0x0: {  	(tag) =	ssettag $0x1  }
0x1: {  	s0 =	stileid.u32;
	s4 =	rddreg [dreg:$0x0]  }
0x2: {  	s3 =	rddreg [dreg:$0x1];
	s8 =	srdreg.scid;
	s9 =	simm.s32 $0x2  }
0x3: {  	s18 =	simm.s32 $0x0;
	s11 =	simm.s32 $0x400;
	s12 =	simm.s32 $0x6E000  }
0x4: {  	s13 =	simm.s32 $0x0;
	s19 =	simm.s32 $0x0;
	s1 =	sshll.u32 s0, $0x4  }
0x5: {  	s20 =	simm.s32 $0x0;
	s21 =	simm.s32 $0x0;
	s2 =	sand.u32 $0x30, s1  }
0x6: {  	s15 =	simm.s32 $0x0;
	s17 =	simm.s32 $0x0;
	s5 =	ssub.s32 $0x40, s2  }
0x7: {  	s4 =	sadd.s32 $0x380A00, s4;
	s8 =	sshll.u32 s8, $0x7;
	s6 =	sand.u32 $0x30, s5  }
0x8: {  	s1 =	rddreg [dreg:$0x2];
	p0 =	sne.s32 s6, $0x0;
	s6 =	simm.s32 $0x1  }
.Ltmp0:
0x9: {  	s7 =	sshrl.u32 s5, $0x6;
	s6 =	simm.s32 @!p0 $0x0;
	(pc) =	sbr.rel .LBB1_1-.Ltmp0, $4  }
0xa: {  	_ =	strace $0x80000047;
	s8 =	sand.u32 $0x80, s8;
	s7 =	sadd.s32 s6, s7  }
0xb: {  	s5 =	sshrl.u32 s0, $0x2;
	s6 =	simm.s32 $0x1;
	s7 =	smul.u32 $0x37, s7  }
0xc: {  	s16 =	smov.u32 s2;
	s14 =	smov.u32 s5;
	[sflag:s6] =	ssyncpa.u1 $0x0  }
0xd: {  	[sflag:s9] =	ssyncpa.u1 $0x0;
	s9 =	sshll.u32 s8, $0x3;
	s10 =	sadd.s32 $0x1, s7  }
.LBB1_7:
0xe: {  	s22 =	sadd.s32 $0x4, s14  }
0xf: {  	s18 =	sadd.s32 $0x8, s15;
	s23 =	smov.u32 s15;
	p1 =	sgt.s32 s22, $0xDB  }
0x10: {  	s23 =	smov.u32 @p1 s18  }
0x11: {  	s19 =	sadd.s32 $0x40, s16;
	s24 =	smov.u32 s16;
	p2 =	sgt.s32 s23, $0x7  }
0x12: {  	s24 =	smov.u32 @p2 s19  }
0x13: {  	s22 =	smov.u32 @p1 s5;
	p1 =	sgt.s32 s24, $0x3F  }
0x14: {  	p0 =	slt.u32 s17, $0x2;
	s24 =	smov.u32 @p1 s2;
	p1 =	sne.s32 s17, s10  }
.Ltmp1:
0x15: {  	s20 =	smov.u32 s15;
	s18 =	simm.s32 @!p0 $0x2;
	(pc) =	sbr.rel @!p1 .LBB1_8-.Ltmp1, $4  }
0x16: {  	s21 =	smov.u32 s16;
	s13 =	sadd.s32 $0x4000, s13;
	_ =	swait.ge @!p0 [sflag:s18], $0x4000  }
0x17: {  	[sflag:s18] =	ssyncset.done @!p0 $0x0;
	s23 =	simm.s32 @p2 $0x0;
	s19 =	smov.u32 s14  }
0x18: {  	s14 =	smov.u32 s22;
	[sflag:s18] =	ssyncadd.s32 @!p0 $0xFFFFC000;
	s18 =	smov.u32 s8  }
0x19: {  	s15 =	smov.u32 s23;
	s17 =	sadd.s32 $0x1, s17;
	s16 =	smov.u32 s24  }
.LBB1_1:
0x1a: {  	p0 =	sge.u32 s17, s7  }
0x1b: {  	s22 =	sshll.u32 @!p0 s14, $0x8  }
0x1c: {  	s23 =	sshll.u32 @!p0 s14, $0x7;
	s22 =	sand.u32 @!p0 $0xFFFFF800, s22  }
0x1d: {  	s23 =	sand.u32 @!p0 $0x300, s23;
	s22 =	sor.u32 @!p0 s9, s22  }
0x1e: {  	s22 =	sor.u32 @!p0 s23, s22  }
0x1f: {  	s22 =	sshrl.u32 @!p0 s22, $0x8  }
0x20: {  	s23 =	smulhi.u32 @!p0 $0x124924A, s22  }
0x21: {  	s24 =	smul.u32 @!p0 $0xE000, s16  }
0x22: {  	s23 =	smul.u32 @!p0 $0xE0, s23  }
0x23: {  	s31 =	sadd.s32 $0xFFFFFFFF, s17;
	s25 =	sxor.u32 @!p0 $0xFFFFFFFF, s17;
	s26 =	smul.u32 @!p0 $0x1C00, s15  }
0x24: {  	s24 =	sadd.s32 @!p0 s4, s24;
	s22 =	ssub.s32 @!p0 s22, s23;
	s23 =	sshll.u32 @!p0 s14, $0x4  }
0x25: {  	s25 =	sshll.u32 @!p0 s25, $0xE;
	s24 =	sadd.s32 @!p0 s26, s24;
	s23 =	sand.u32 @!p0 $0x10, s23  }
0x26: {  	s25 =	sand.u32 @!p0 $0x4000, s25;
	s22 =	sshll.u32 @!p0 s22, $0x5;
	s23 =	sadd.s32 @!p0 s23, s24  }
0x27: {  	s24 =	simm.s32 @!p0 $0xE000;
	s22 =	sadd.s32 @!p0 s22, s23;
	s23 =	simm.s32 @!p0 $0x80  }
0x28: {  	[tilespmem:s25], [sflag:$0x1] =	stream.strided.gather @!p0 [hbm4b:s22+s23], $0x4000, s24, s23, $0x38;
	[tilespmem:$0x10000] =	vst v63  }
0x29: {  	p0 =	sge.u32 s31, s7  }
.Ltmp2:
0x2a: {  	_ = 	snop;
	(pc) =	sbr.rel @p0 .LBB1_7-.Ltmp2, $1  }
0x2b: {  	_ =	sdelay $0x3  }
0x2c: {  	s22 =	sand.u32 $0x4000, s13  }
0x2d: {  	_ =	swait.ge [sflag:s6], $0x4000;
	s25 =	sshll.u32 s17, $0xE;
	s23 =	sor.u32 $0x70, s22  }
0x2e: {  	s24 =	sor.u32 $0x8040, s22;
	[sflag:s6] =	ssyncset.done $0x0;
	s31 =	sand.u32 $0x4000, s25  }
0x2f: {  	s25 =	simm.s32 $0x0;
	[sflag:s6] =	ssyncadd.s32 $0xFFFFC000;
	s22 =	sor.u32 $0x8000, s31  }
.LBB1_3:
0x30: {  	v1 =	vmov s23;
	_ =	sdelay $0x3  }
0x31: {  	s26 =	simm.s32 $0x0  }
0x32: {  	v7 =	vld.idx.msk [tilespmem:v1+s26+$0x0 ss:$0x1], $0xffff  }
0x33: {  	v0 =	vmov s24;
	v8 =	vld.idx.msk [tilespmem:v1+s26+$0xFFFFFF90 ss:$0x1], $0xffff  }
0x34: {  	v6 =	vld.idx.msk [tilespmem:v1+s26+$0xFFFFFFA0 ss:$0x1], $0xffff  }
0x35: {  	v5 =	vld.idx.msk [tilespmem:v1+s26+$0xFFFFFFB0 ss:$0x1], $0xffff  }
0x36: {  	v4 =	vld.idx.msk [tilespmem:v1+s26+$0xFFFFFFC0 ss:$0x1], $0xffff  }
0x37: {  	v2 =	vld.idx.msk [tilespmem:v1+s26+$0xFFFFFFD0 ss:$0x1], $0xffff  }
0x38: {  	v3 =	vld.idx.msk [tilespmem:v1+s26+$0xFFFFFFE0 ss:$0x1], $0xffff;
	[tilespmem:v0+s26+$0x30 ss:$0x1] =	vst.idx.msk $0xffff, v7  }
0x39: {  	s27 =	simm.s32 $0x80;
	s28 =	simm.s32 $0x400;
	[tilespmem:v0+s26+$0xFFFFFFC0 ss:$0x1] =	vst.idx.msk $0xffff, v8;
	v7 =	vld.idx.msk [tilespmem:v1+s26+$0xFFFFFFF0 ss:$0x1], $0xffff  }
.LBB1_4:
0x3a: {  	p0 =	sne.s32 s28, $0xE00;
	v8 =	vld.idx.msk [tilespmem:v1+s27+$0x0 ss:$0x1], $0xffff;
	[tilespmem:v0+s26+$0xFFFFFFD0 ss:$0x1] =	vst.idx.msk $0xffff, v6  }
0x3b: {  	v9 =	vld.idx.msk [tilespmem:v1+s27+$0xFFFFFF90 ss:$0x1], $0xffff;
	[tilespmem:v0+s26+$0xFFFFFFE0 ss:$0x1] =	vst.idx.msk $0xffff, v5  }
0x3c: {  	v6 =	vld.idx.msk [tilespmem:v1+s27+$0xFFFFFFA0 ss:$0x1], $0xffff;
	[tilespmem:v0+s26+$0xFFFFFFF0 ss:$0x1] =	vst.idx.msk $0xffff, v4  }
.Ltmp3:
0x3d: {  	v5 =	vld.idx.msk [tilespmem:v1+s27+$0xFFFFFFB0 ss:$0x1], $0xffff;
	[tilespmem:v0+s26+$0x0 ss:$0x1] =	vst.idx.msk $0xffff, v2;
	(pc) =	sbr.rel @p0 .LBB1_4-.Ltmp3, $4  }
0x3e: {  	v4 =	vld.idx.msk [tilespmem:v1+s27+$0xFFFFFFC0 ss:$0x1], $0xffff;
	[tilespmem:v0+s26+$0x10 ss:$0x1] =	vst.idx.msk $0xffff, v3  }
0x3f: {  	v2 =	vld.idx.msk [tilespmem:v1+s27+$0xFFFFFFD0 ss:$0x1], $0xffff;
	[tilespmem:v0+s26+$0x20 ss:$0x1] =	vst.idx.msk $0xffff, v7;
	s26 =	smov.u32 s27  }
0x40: {  	v3 =	vld.idx.msk [tilespmem:v1+s26+$0xFFFFFFE0 ss:$0x1], $0xffff;
	[tilespmem:v0+s26+$0x30 ss:$0x1] =	vst.idx.msk $0xffff, v8  }
0x41: {  	s27 =	sshra.s32 s28, $0x2;
	s28 =	sadd.s32 $0x200, s28;
	[tilespmem:v0+s26+$0xFFFFFFC0 ss:$0x1] =	vst.idx.msk $0xffff, v9;
	v7 =	vld.idx.msk [tilespmem:v1+s26+$0xFFFFFFF0 ss:$0x1], $0xffff  }
0x42: {  	_ =	sdelay $0x3  }
0x43: {  	[tilespmem:v0+s26+$0xFFFFFFD0 ss:$0x1] =	vst.idx.msk $0xffff, v6  }
0x44: {  	v56 =	vld.idx.msk [tilespmem:v1+s27+$0x0 ss:$0x1], $0xffff;
	[tilespmem:v0+s26+$0xFFFFFFE0 ss:$0x1] =	vst.idx.msk $0xffff, v5  }
0x45: {  	v57 =	vld.idx.msk [tilespmem:v1+s27+$0xFFFFFF90 ss:$0x1], $0xffff;
	[tilespmem:v0+s26+$0xFFFFFFF0 ss:$0x1] =	vst.idx.msk $0xffff, v4  }
0x46: {  	v58 =	vld.idx.msk [tilespmem:v1+s27+$0xFFFFFFA0 ss:$0x1], $0xffff;
	[tilespmem:v0+s26+$0x0 ss:$0x1] =	vst.idx.msk $0xffff, v2  }
0x47: {  	v59 =	vld.idx.msk [tilespmem:v1+s27+$0xFFFFFFB0 ss:$0x1], $0xffff;
	[tilespmem:v0+s26+$0x10 ss:$0x1] =	vst.idx.msk $0xffff, v3  }
0x48: {  	v60 =	vld.idx.msk [tilespmem:v1+s27+$0xFFFFFFC0 ss:$0x1], $0xffff;
	[tilespmem:v0+s26+$0x20 ss:$0x1] =	vst.idx.msk $0xffff, v7  }
0x49: {  	v61 =	vld.idx.msk [tilespmem:v1+s27+$0xFFFFFFD0 ss:$0x1], $0xffff;
	[tilespmem:v0+s27+$0x30 ss:$0x1] =	vst.idx.msk $0xffff, v56  }
0x4a: {  	v62 =	vld.idx.msk [tilespmem:v1+s27+$0xFFFFFFE0 ss:$0x1], $0xffff;
	s25 =	sadd.s32 $0x1, s25;
	[tilespmem:v0+s27+$0xFFFFFFC0 ss:$0x1] =	vst.idx.msk $0xffff, v57  }
0x4b: {  	v63 =	vld.idx.msk [tilespmem:v1+s27+$0xFFFFFFF0 ss:$0x1], $0xffff;
	p0 =	sne.s32 s25, $0x10;
	[tilespmem:v0+s27+$0xFFFFFFD0 ss:$0x1] =	vst.idx.msk $0xffff, v58  }
.Ltmp4:
0x4c: {  	[tilespmem:v0+s27+$0xFFFFFFE0 ss:$0x1] =	vst.idx.msk $0xffff, v59;
	(pc) =	sbr.rel @p0 .LBB1_3-.Ltmp4, $4  }
0x4d: {  	[tilespmem:v0+s27+$0xFFFFFFF0 ss:$0x1] =	vst.idx.msk $0xffff, v60  }
0x4e: {  	[tilespmem:v0+s27+$0x0 ss:$0x1] =	vst.idx.msk $0xffff, v61  }
0x4f: {  	[tilespmem:v0+s27+$0x10 ss:$0x1] =	vst.idx.msk $0xffff, v62  }
0x50: {  	s23 =	sadd.s32 $0x400, s23;
	s24 =	sadd.s32 $0x400, s24;
	[tilespmem:v0+s27+$0x20 ss:$0x1] =	vst.idx.msk $0xffff, v63  }
0x51: {  	s21 =	smul.u32 $0xDC00, s21  }
.Ltmp5:
0x52: {  	s20 =	sshll.u32 s20, $0x4;
	(pc) =	sbr.rel .LBB1_7-.Ltmp5, $4  }
0x53: {  	s19 =	sshll.u32 s19, $0x8;
	s20 =	sand.u32 $0x70, s20;
	s21 =	sadd.s32 s3, s21  }
0x54: {  	s18 =	sor.u32 s18, s20;
	s19 =	sadd.s32 s19, s21  }
0x55: {  	s18 =	sadd.s32 s18, s19  }
0x56: {  	[hbm4b:s18+s11] =	stream.strided.scatter [tilespmem:s22], [sflag:$0x2], $0x4000, s12, s11, $0x38;
	[tilespmem:$0x10000] =	vst v63  }
.LBB1_8:
0x57: {  	_ =	sfence.sel $0x180000  }
0x58: {  	s2 =	simm.s32 $0x1;
	[bflag:$0x0] =	sbarrier.arrive $0xFFFF  }
0x59: {  	s31 =	simm.s32 $0x2;
	[sflag:s2] =	ssyncpa.u1 $0x1  }
0x5a: {  	[sflag:s31] =	ssyncpa.u1 $0x1  }
0x5b: {  	p0 =	sne.s32 s0, $0x0;
	_ =	strace $0x90000047  }
0x5c: {  	s0 =	sadd.s32 @!p0 $0x100000, s1;
	[bflag:$0x2] =	sbarrier.arrive $0xFFFF  }
0x5d: {  	[sflag:s0] =	ssyncadd.tile.s32 @!p0 $0x1;
	_ =	shalt  }
.Lfunc_end1:
_tile_overlayer_lowered:
.L_overlay_start_2:
0x5e: {  	(tag) =	ssettag $0x2  }
0x5f: {  	s0 =	rddreg [dreg:$0x0];
	s2 =	stileid.u32  }
0x60: {  	s1 =	rddreg [dreg:$0x1];
	p0 =	sne.s32 s2, $0x0  }
0x61: {  	s3 =	rddreg [dreg:$0x2];
	[bflag:$0x3] =	sbarrier.arrive $0xFFFF;
	s2 =	simm.s32 @!p0 $0x1C01  }
0x62: {  	[timem:s3], [sflag:s2] =	dma.local @!p0 [hbm:s0], s1  }
0x63: {  	s0 =	simm.s32 @!p0 $0x1  }
0x64: {  	_ =	swait.ge @!p0 [sflag:s0], s1  }
0x65: {  	s1 =	ssub.s32 @!p0 $0x0, s1;
	[sflag:s0] =	ssyncset.done @!p0 $0x0  }
0x66: {  	[sflag:s0] =	ssyncadd.s32 @!p0 s1  }
0x67: {  	[bflag:$0x3] =	sbarrier.arrive $0xFFFF  }
0x68: {  	_ =	shalt  }

</sc_bundles>
